<compile_context>
chip_gen: v7x
topology: tpu7x:2x2x1
jax: 0.10.2.dev20260603
libtpu: 0.0.44.dev20260713+nightly
codegen_flags: <defaults>
</compile_context>

<pallas_src>
import functools

import jax
import jax.numpy as jnp
from jax.experimental import pallas as pl
from jax.experimental.pallas import tpu as pltpu

S = 2048
D = 2048
H = 16
DH = 128
HI = 4
DI = 64
TOPK = 512
NEG = -1e30
BQ = 256

_TRANS_RHS = (((1,), (1,)), ((), ()))


def _b(x):
    return x.astype(jnp.bfloat16)


def _mm_kernel(out_dtype, a_ref, b_ref, o_ref):
    o_ref[...] = jnp.dot(a_ref[...], b_ref[...],
                         preferred_element_type=jnp.float32).astype(out_dtype)


def _matmul(a, b, bm, bn, out_dtype=jnp.float32):
    m, k = a.shape
    _, n = b.shape
    return pl.pallas_call(
        functools.partial(_mm_kernel, out_dtype),
        grid=(m // bm, n // bn),
        in_specs=[
            pl.BlockSpec((bm, k), lambda i, j: (i, 0)),
            pl.BlockSpec((k, bn), lambda i, j: (0, j)),
        ],
        out_specs=pl.BlockSpec((bm, bn), lambda i, j: (i, j)),
        out_shape=jax.ShapeDtypeStruct((m, n), out_dtype),
    )(a, b)


def _attn_kernel(q_ref, k_ref, v_ref, sel_ref, o_ref):
    s = jax.lax.dot_general(q_ref[...], k_ref[...], _TRANS_RHS,
                            preferred_element_type=jnp.float32) * (DH ** -0.5)
    s = jnp.where(sel_ref[...] != 0, s, NEG)
    m = jnp.max(s, axis=1, keepdims=True)
    e = jnp.exp(s - m)
    den = jnp.sum(e, axis=1, keepdims=True)
    p = (e / den).astype(jnp.bfloat16)
    o_ref[...] = jnp.dot(p, v_ref[...],
                         preferred_element_type=jnp.float32).astype(
                             jnp.bfloat16)


def _attention(proj16, sel):
    return pl.pallas_call(
        _attn_kernel,
        grid=(H, S // BQ),
        in_specs=[
            pl.BlockSpec((BQ, DH), lambda h, i: (i, h)),
            pl.BlockSpec((S, DH), lambda h, i: (0, H + h)),
            pl.BlockSpec((S, DH), lambda h, i: (0, 2 * H + h)),
            pl.BlockSpec((BQ, S), lambda h, i: (i, 0)),
        ],
        out_specs=pl.BlockSpec((BQ, DH), lambda h, i: (i, h)),
        out_shape=jax.ShapeDtypeStruct((S, H * DH), jnp.bfloat16),
    )(proj16, proj16, proj16, sel)


def kernel(x, wq, wk, wv, wo, wiq, wik, w_ih):
    bf = jnp.bfloat16
    xb = x[0].astype(bf)
    wcat = jnp.concatenate([wq, wk, wv], axis=1).astype(bf)
    proj16 = _matmul(xb, wcat, 1024, 512, out_dtype=bf)

    Bx, Sx, Dx = x.shape
    iq = (x @ wiq).reshape(Bx, Sx, HI, DI)
    ik = x @ wik
    isc = jnp.einsum('bshd,btd->bhst', iq, ik)
    isc = jax.nn.relu(isc)
    isc = jnp.einsum('h,bhst->bst', w_ih, isc)
    causal = jnp.tril(jnp.ones((Sx, Sx), dtype=bool))
    isc = jnp.where(causal[None, :, :], isc, NEG)
    kth = jax.lax.top_k(isc, TOPK)[0][..., -1:]
    sel = ((isc >= kth) & causal[None, :, :])[0].astype(jnp.int8)
    att16 = _attention(proj16, sel)
    y = _matmul(att16, wo.astype(bf), 1024, 512)
    return y[None]

# --- scband reference (transcript-rebuilt; emitter-appended) ---
"""Pipeline reference for scband-attention-16252156248242 (READ-ONLY COPY).

The authoritative reference and input builder live on the scoring server;
editing this copy changes nothing except your own understanding.
"""

import jax, jax.numpy as jnp
import numpy as np

B, S, D = 1, 2048, 2048
H, DH = 16, 128
HI, DI = 4, 64
TOPK = 512
NEG = -1e30


def setup_inputs(seed: int = 0) -> dict:
    key = jax.random.key(seed)
    ks = jax.random.split(key, 8)
    sc = 0.02
    x = jax.random.normal(ks[0], (B, S, D), dtype=jnp.float32)
    wq = jax.random.normal(ks[1], (D, H * DH), dtype=jnp.float32) * sc
    wk = jax.random.normal(ks[2], (D, H * DH), dtype=jnp.float32) * sc
    wv = jax.random.normal(ks[3], (D, H * DH), dtype=jnp.float32) * sc
    wo = jax.random.normal(ks[4], (H * DH, D), dtype=jnp.float32) * sc
    wiq = jax.random.normal(ks[5], (D, HI * DI), dtype=jnp.float32) * sc
    wik = jax.random.normal(ks[6], (D, DI), dtype=jnp.float32) * sc
    w_ih = jax.random.normal(ks[7], (HI,), dtype=jnp.float32) * 0.5 + 1.0
    return {"x": x, "wq": wq, "wk": wk, "wv": wv, "wo": wo,
            "wiq": wiq, "wik": wik, "w_ih": w_ih}


def reference(x, wq, wk, wv, wo, wiq, wik, w_ih):
    # DeepSeek-V4-style sparse attention: a lightweight multi-head indexer
    # scores every (query, key) pair, selects the top-k keys per query under a
    # causal mask, and full attention is evaluated only on the selected set.
    Bx, Sx, Dx = x.shape
    q = (x @ wq).reshape(Bx, Sx, H, DH)
    k = (x @ wk).reshape(Bx, Sx, H, DH)
    v = (x @ wv).reshape(Bx, Sx, H, DH)

    # ---- indexer: per-head ReLU dot-product scores, head-weighted sum ----
    iq = (x @ wiq).reshape(Bx, Sx, HI, DI)
    ik = x @ wik  # [B, S, DI]
    isc = jnp.einsum('bshd,btd->bhst', iq, ik)
    isc = jax.nn.relu(isc)
    isc = jnp.einsum('h,bhst->bst', w_ih, isc)  # [B, S, S]

    causal = jnp.tril(jnp.ones((Sx, Sx), dtype=bool))
    isc = jnp.where(causal[None, :, :], isc, NEG)

    # top-k threshold per query row -> sparse selection mask
    kth = jax.lax.top_k(isc, TOPK)[0][..., -1:]  # [B, S, 1]
    sel = (isc >= kth) & causal[None, :, :]      # [B, S, S] bool

    # ---- attention restricted to selected keys ----
    att = jnp.einsum('bshd,bthd->bhst', q, k) / jnp.sqrt(jnp.float32(DH))
    att = jnp.where(sel[:, None, :, :], att, NEG)
    att = jax.nn.softmax(att, axis=-1)
    out = jnp.einsum('bhst,bthd->bshd', att, v).reshape(Bx, Sx, H * DH)
    return out @ wo


if False:  # reference __main__ guard neutralized (emitter)
    inp = setup_inputs()
    y = reference(**inp)
    print(y.shape, y.dtype)

if __name__ == "__main__":
    import jax
    _d = setup_inputs()
    print(jax.jit(kernel)(*tuple(_d.values())))

</pallas_src>

<mosaic_0001>
module attributes {stable_mosaic.version = 14 : i64} {
  func.func @_mm_kernel(%arg0: i32, %arg1: i32, %arg2: memref<1024x2048xbf16, #tpu.memory_space<vmem>>, %arg3: memref<2048x512xbf16, #tpu.memory_space<vmem>>, %arg4: memref<1024x512xbf16, #tpu.memory_space<vmem>>) attributes {dimension_semantics = [#tpu.dimension_semantics<arbitrary>, #tpu.dimension_semantics<arbitrary>], iteration_bounds = array<i64: 2, 12>, scalar_prefetch = 0 : i64, scratch_operands = 0 : i64, tpu.core_type = #tpu.core_type<tc>, window_params = [{transform_indices = @transform_0, window_bounds = array<i64: 1024, 2048>}, {transform_indices = @transform_1, window_bounds = array<i64: 2048, 512>}, {transform_indices = @transform_2, window_bounds = array<i64: 1024, 512>}]} {
    %get3A = arith.constant 0 : index
    %get3A_0 = arith.constant 0 : index
    %get3A_1 = vector.load %arg2[%get3A, %get3A_0] : memref<1024x2048xbf16, #tpu.memory_space<vmem>>, vector<1024x2048xbf16>
    %get3A_2 = arith.constant 0 : index
    %get3A_3 = arith.constant 0 : index
    %get3A_4 = vector.load %arg3[%get3A_2, %get3A_3] : memref<2048x512xbf16, #tpu.memory_space<vmem>>, vector<2048x512xbf16>
    %dot_general3A = arith.constant dense<0.000000e+00> : vector<1024x512xf32>
    %dot_general3A_5 = tpu.matmul %get3A_1, %get3A_4, %dot_general3A {dimension_numbers = #tpu.dot_dimension_numbers<[1], [0], [0], [1], [0, 0, 1, 1], [], []>, transpose_lhs_hint = false} : vector<1024x2048xbf16>, vector<2048x512xbf16>, vector<1024x512xf32> -> vector<1024x512xf32>
    %convert_element_type3A = arith.truncf %dot_general3A_5 : vector<1024x512xf32> to vector<1024x512xbf16>
    %swap3A = arith.constant 0 : index
    %swap3A_6 = arith.constant 0 : index
    %swap3A_7 = vector.load %arg4[%swap3A, %swap3A_6] : memref<1024x512xbf16, #tpu.memory_space<vmem>>, vector<1024x512xbf16>
    tpu.vector_store %arg4[%swap3A, %swap3A_6], %convert_element_type3A {strides = array<i32>} : memref<1024x512xbf16, #tpu.memory_space<vmem>>, vector<1024x512xbf16>,
    return
  }
  func.func @transform_0(%arg0: i32, %arg1: i32) -> (i32, i32) {
    %c0_i32 = arith.constant 0 : i32
    %c0_i32_0 = arith.constant 0 : i32
    return %arg0, %c0_i32 : i32, i32
  }
  func.func @transform_1(%arg0: i32, %arg1: i32) -> (i32, i32) {
    %c0_i32 = arith.constant 0 : i32
    %c0_i32_0 = arith.constant 0 : i32
    return %c0_i32, %arg1 : i32, i32
  }
  func.func @transform_2(%arg0: i32, %arg1: i32) -> (i32, i32) {
    %c0_i32 = arith.constant 0 : i32
    return %arg0, %arg1 : i32, i32
  }
}

module attributes {stable_mosaic.version = 14 : i64} {
  func.func @_attn_kernel(%arg0: i32, %arg1: i32, %arg2: memref<256x128xbf16, #tpu.memory_space<vmem>>, %arg3: memref<2048x128xbf16, #tpu.memory_space<vmem>>, %arg4: memref<2048x128xbf16, #tpu.memory_space<vmem>>, %arg5: memref<256x2048xi8, #tpu.memory_space<vmem>>, %arg6: memref<256x128xbf16, #tpu.memory_space<vmem>>) attributes {dimension_semantics = [#tpu.dimension_semantics<arbitrary>, #tpu.dimension_semantics<arbitrary>], iteration_bounds = array<i64: 16, 8>, scalar_prefetch = 0 : i64, scratch_operands = 0 : i64, tpu.core_type = #tpu.core_type<tc>, window_params = [{transform_indices = @transform_0, window_bounds = array<i64: 256, 128>}, {transform_indices = @transform_1, window_bounds = array<i64: 2048, 128>}, {transform_indices = @transform_2, window_bounds = array<i64: 2048, 128>}, {transform_indices = @transform_3, window_bounds = array<i64: 256, 2048>}, {transform_indices = @transform_4, window_bounds = array<i64: 256, 128>}]} {
    %get3A = arith.constant 0 : index
    %get3A_0 = arith.constant 0 : index
    %get3A_1 = vector.load %arg2[%get3A, %get3A_0] : memref<256x128xbf16, #tpu.memory_space<vmem>>, vector<256x128xbf16>
    %get3A_2 = arith.constant 0 : index
    %get3A_3 = arith.constant 0 : index
    %get3A_4 = vector.load %arg3[%get3A_2, %get3A_3] : memref<2048x128xbf16, #tpu.memory_space<vmem>>, vector<2048x128xbf16>
    %dot_general3A = arith.constant dense<0.000000e+00> : vector<256x2048xf32>
    %dot_general3A_5 = tpu.matmul %get3A_1, %get3A_4, %dot_general3A {dimension_numbers = #tpu.dot_dimension_numbers<[1], [1], [0], [0], [0, 0, 1, 0], [], []>, transpose_lhs_hint = false} : vector<256x128xbf16>, vector<2048x128xbf16>, vector<256x2048xf32> -> vector<256x2048xf32>
    %mul3A = arith.constant 0.0883883461 : f32
    %mul3A_6 = vector.broadcast %mul3A : f32 to vector<256x2048xf32>
    %mul3A_7 = arith.mulf %dot_general3A_5, %mul3A_6 : vector<256x2048xf32>
    %get3A_8 = arith.constant 0 : index
    %get3A_9 = arith.constant 0 : index
    %get3A_10 = vector.load %arg5[%get3A_8, %get3A_9] : memref<256x2048xi8, #tpu.memory_space<vmem>>, vector<256x2048xi8>
    %ne3A = arith.constant 0 : i8
    %ne3A_11 = vector.broadcast %ne3A : i8 to vector<256x2048xi8>
    %ne3A_12 = arith.cmpi ne, %get3A_10, %ne3A_11 : vector<256x2048xi8>
    %jit3A = arith.constant -1.000000e+30 : f32
    %broadcast_in_dim3A = vector.broadcast %jit3A : f32 to vector<256x2048xf32>
    %select_n3A = arith.select %ne3A_12, %mul3A_7, %broadcast_in_dim3A : vector<256x2048xi1>, vector<256x2048xf32>
    %reduce_max3A = arith.constant dense<0xFF800000> : vector<256xf32>
    %reduce_max3A_13 = vector.multi_reduction <maximumf>, %select_n3A, %reduce_max3A [1] : vector<256x2048xf32> to vector<256xf32>
    %broadcast_in_dim3A_14 = vector.shape_cast %reduce_max3A_13 : vector<256xf32> to vector<256x1xf32>
    %sub3A = vector.broadcast %broadcast_in_dim3A_14 : vector<256x1xf32> to vector<256x2048xf32>
    %sub3A_15 = arith.subf %select_n3A, %sub3A : vector<256x2048xf32>
    %exp3A = math.exp %sub3A_15 : vector<256x2048xf32>
    %reduce_sum3A = arith.constant dense<0.000000e+00> : vector<256xf32>
    %reduce_sum3A_16 = vector.multi_reduction <add>, %exp3A, %reduce_sum3A [1] : vector<256x2048xf32> to vector<256xf32>
    %broadcast_in_dim3A_17 = vector.shape_cast %reduce_sum3A_16 : vector<256xf32> to vector<256x1xf32>
    %div3A = vector.broadcast %broadcast_in_dim3A_17 : vector<256x1xf32> to vector<256x2048xf32>
    %div3A_18 = arith.divf %exp3A, %div3A : vector<256x2048xf32>
    %convert_element_type3A = arith.truncf %div3A_18 : vector<256x2048xf32> to vector<256x2048xbf16>
    %get3A_19 = arith.constant 0 : index
    %get3A_20 = arith.constant 0 : index
    %get3A_21 = vector.load %arg4[%get3A_19, %get3A_20] : memref<2048x128xbf16, #tpu.memory_space<vmem>>, vector<2048x128xbf16>
    %dot_general3A_22 = arith.constant dense<0.000000e+00> : vector<256x128xf32>
    %dot_general3A_23 = tpu.matmul %convert_element_type3A, %get3A_21, %dot_general3A_22 {dimension_numbers = #tpu.dot_dimension_numbers<[1], [0], [0], [1], [0, 0, 1, 1], [], []>, transpose_lhs_hint = false} : vector<256x2048xbf16>, vector<2048x128xbf16>, vector<256x128xf32> -> vector<256x128xf32>
    %convert_element_type3A_24 = arith.truncf %dot_general3A_23 : vector<256x128xf32> to vector<256x128xbf16>
    %swap3A = arith.constant 0 : index
    %swap3A_25 = arith.constant 0 : index
    %swap3A_26 = vector.load %arg6[%swap3A, %swap3A_25] : memref<256x128xbf16, #tpu.memory_space<vmem>>, vector<256x128xbf16>
    tpu.vector_store %arg6[%swap3A, %swap3A_25], %convert_element_type3A_24 {strides = array<i32>} : memref<256x128xbf16, #tpu.memory_space<vmem>>, vector<256x128xbf16>,
    return
  }
  func.func @transform_0(%arg0: i32, %arg1: i32) -> (i32, i32) {
    %c0_i32 = arith.constant 0 : i32
    return %arg1, %arg0 : i32, i32
  }
  func.func @transform_1(%arg0: i32, %arg1: i32) -> (i32, i32) {
    %add3A = arith.constant 16 : i32
    %add3A_0 = arith.addi %add3A, %arg0 : i32
    %c0_i32 = arith.constant 0 : i32
    %c0_i32_1 = arith.constant 0 : i32
    return %c0_i32, %add3A_0 : i32, i32
  }
  func.func @transform_2(%arg0: i32, %arg1: i32) -> (i32, i32) {
    %add3A = arith.constant 32 : i32
    %add3A_0 = arith.addi %add3A, %arg0 : i32
    %c0_i32 = arith.constant 0 : i32
    %c0_i32_1 = arith.constant 0 : i32
    return %c0_i32, %add3A_0 : i32, i32
  }
  func.func @transform_3(%arg0: i32, %arg1: i32) -> (i32, i32) {
    %c0_i32 = arith.constant 0 : i32
    %c0_i32_0 = arith.constant 0 : i32
    return %arg1, %c0_i32 : i32, i32
  }
  func.func @transform_4(%arg0: i32, %arg1: i32) -> (i32, i32) {
    %c0_i32 = arith.constant 0 : i32
    return %arg1, %arg0 : i32, i32
  }
}

module attributes {stable_mosaic.version = 14 : i64} {
  func.func @_mm_kernel(%arg0: i32, %arg1: i32, %arg2: memref<1024x2048xbf16, #tpu.memory_space<vmem>>, %arg3: memref<2048x512xbf16, #tpu.memory_space<vmem>>, %arg4: memref<1024x512xf32, #tpu.memory_space<vmem>>) attributes {dimension_semantics = [#tpu.dimension_semantics<arbitrary>, #tpu.dimension_semantics<arbitrary>], iteration_bounds = array<i64: 2, 4>, scalar_prefetch = 0 : i64, scratch_operands = 0 : i64, tpu.core_type = #tpu.core_type<tc>, window_params = [{transform_indices = @transform_0, window_bounds = array<i64: 1024, 2048>}, {transform_indices = @transform_1, window_bounds = array<i64: 2048, 512>}, {transform_indices = @transform_2, window_bounds = array<i64: 1024, 512>}]} {
    %get3A = arith.constant 0 : index
    %get3A_0 = arith.constant 0 : index
    %get3A_1 = vector.load %arg2[%get3A, %get3A_0] : memref<1024x2048xbf16, #tpu.memory_space<vmem>>, vector<1024x2048xbf16>
    %get3A_2 = arith.constant 0 : index
    %get3A_3 = arith.constant 0 : index
    %get3A_4 = vector.load %arg3[%get3A_2, %get3A_3] : memref<2048x512xbf16, #tpu.memory_space<vmem>>, vector<2048x512xbf16>
    %dot_general3A = arith.constant dense<0.000000e+00> : vector<1024x512xf32>
    %dot_general3A_5 = tpu.matmul %get3A_1, %get3A_4, %dot_general3A {dimension_numbers = #tpu.dot_dimension_numbers<[1], [0], [0], [1], [0, 0, 1, 1], [], []>, transpose_lhs_hint = false} : vector<1024x2048xbf16>, vector<2048x512xbf16>, vector<1024x512xf32> -> vector<1024x512xf32>
    %swap3A = arith.constant 0 : index
    %swap3A_6 = arith.constant 0 : index
    %swap3A_7 = vector.load %arg4[%swap3A, %swap3A_6] : memref<1024x512xf32, #tpu.memory_space<vmem>>, vector<1024x512xf32>
    tpu.vector_store %arg4[%swap3A, %swap3A_6], %dot_general3A_5 {strides = array<i32>} : memref<1024x512xf32, #tpu.memory_space<vmem>>, vector<1024x512xf32>,
    return
  }
  func.func @transform_0(%arg0: i32, %arg1: i32) -> (i32, i32) {
    %c0_i32 = arith.constant 0 : i32
    %c0_i32_0 = arith.constant 0 : i32
    return %arg0, %c0_i32 : i32, i32
  }
  func.func @transform_1(%arg0: i32, %arg1: i32) -> (i32, i32) {
    %c0_i32 = arith.constant 0 : i32
    %c0_i32_0 = arith.constant 0 : i32
    return %c0_i32, %arg1 : i32, i32
  }
  func.func @transform_2(%arg0: i32, %arg1: i32) -> (i32, i32) {
    %c0_i32 = arith.constant 0 : i32
    return %arg0, %arg1 : i32, i32
  }
}

</mosaic_0001>

<sc_bundles>
// kernel: sparse-core-data-format-call.cloned.1.call-start
scs
called_computation_lowered:
.L_overlay_start_0:
0x0: {  	s1 =	sld [smem:$0x3FD9]  }
0x1: {  	s2 =	sld [smem:$0x3FFE];
	_ =	sdelay $0x1  }
0x2: {  	s3 =	srdreg.scid  }
0x3: {  	s0 =	sand.u32 $0x1, s3  }
0x4: {  	s17 =	sshll.u32 s0, $0xA;
	s1 =	sadd.s32 s2, s1  }
0x5: {  	s1 =	sadd.s32 s1, s17  }
0x6: {  	[smem:$0x3FC0] =	sst s1  }
0x7: {  	_ = 	snop  }
0x8: {  	(tm) =	ssettm $0x1  }
0x9: {  	s18 =	sld [smem:$0x3FFB];
	_ =	sdelay $0x3  }
0xa: {  	_ =	strace s18  }
0xb: {  	s1 =	sld [smem:$0x3FFC];
	_ =	sdelay $0x3  }
0xc: {  	_ =	strace s1  }
0xd: {  	s1 =	sld [smem:$0x3FFD];
	_ =	sdelay $0x3  }
0xe: {  	_ =	strace s1  }
0xf: {  	_ =	strace $0x8FFFFFFF  }
0x10: {  	s19 =	sld [smem:$0x3FDB];
	_ =	sdelay $0x1  }
0x11: {  	s20 =	simm.s32 $_scs_section_size  }
0x12: {  	s4 =	simm.s32 $_size__tile_overlayer_lowered;
	s5 =	simm.s32 $_tile_overlayer_lowered  }
0x13: {  	s23 =	simm.s32 $0x1BFF;
	s22 =	sshll.u32 s5, $0x1;
	s1 =	sadd.s32 s20, s19  }
0x14: {  	s6 =	simm.s32 $0x0;
	s21 =	sshll.u32 s4, $0x1;
	s4 =	sadd.s32 s22, s1  }
0x15: {  	[timem:s6], [sflag:s23] =	dma.local [hbm:s4], s21  }
0x16: {  	_ =	swait.ge [sflag:s23], s21  }
0x17: {  	s2 =	ssub.s32 $0x0, s21;
	[sflag:s23] =	ssyncset.done $0x0  }
0x18: {  	[sflag:s23] =	ssyncadd.s32 s2;
	_ =	sdelay $0x1  }
0x19: {  	s24 =	simm.s32 $0x1B8B  }
0x1a: {  	_ =	swait.ge [sflag:s24], $0x1  }
0x1b: {  	[sflag:s24] =	ssyncset.done $0x0  }
0x1c: {  	s26 =	simm.s32 $0x1B8E;
	s25 =	sld [smem:$0x3FFE];
	[sflag:s24] =	ssyncadd.s32 $0xFFFFFFFF  }
0x1d: {  	s27 =	simm.s32 $execute0_lowered;
	[smem:$0x3FD2] =	sst s26  }
0x1e: {  	s4 =	sshll.u32 s27, $0x1;
	_ =	strace $0x80000046;
	[dreg:$0x1] =	wrdreg $0xFFFFFFFF  }
0x1f: {  	s28 =	simm.s32 $_size_execute0_lowered;
	s1 =	sadd.s32 s1, s4;
	[dreg:$0x0] =	wrdreg $0x0  }
0x20: {  	s4 =	sshll.u32 s28, $0x1;
	[dreg:$0x2] =	wrdreg s1  }
0x21: {  	[dreg:$0x3] =	wrdreg s4  }
0x22: {  	[dreg:$0x4] =	wrdreg $0xC0  }
0x23: {  	_ =	task [dreg:s6], $0x5FFFF  }
0x24: {  	[dreg:$0x1] =	wrdreg $0xFFFFFFFF  }
0x25: {  	[dreg:$0x0] =	wrdreg $0x60  }
0x26: {  	[dreg:$0x2] =	wrdreg s25  }
0x27: {  	[dreg:$0x3] =	wrdreg $0x9  }
0x28: {  	_ =	task.clear_ibuf [dreg:s6], $0x4FFFF;
	_ =	strace $0x90000046  }
0x29: {  	s29 =	simm.s32 $0x9;
	_ =	strace $0x80000048  }
0x2a: {  	_ =	swait.ge [sflag:s29], $0x1  }
0x2b: {  	[sflag:s29] =	ssyncadd.s32 $0xFFFFFFFF  }
0x2c: {  	_ =	strace $0x90000048  }
0x2d: {  	_ =	sfence  }
0x2e: {  	s30 =	sld [smem:$0x0];
	_ =	sdelay $0x2  }
0x2f: {  	s31 =	sshll.u32 s3, $0xD;
	s3 =	sshrl.u32 s3, $0x2  }
0x30: {  	s2 =	sand.u32 $0x4000, s31;
	s1 =	sadd.s32 s3, s30  }
0x31: {  	s0 =	sor.u32 s2, s0;
	s1 =	sshll.u32 s1, $0x11  }
0x32: {  	s0 =	sor.u32 s1, s0  }
0x33: {  	s0 =	sadd.s32 $0x8F2B, s0  }
0x34: {  	[sflag:s0] =	ssyncadd.remote.s32 $0x1  }
0x35: {  	_ =	sfence.sel $0xFFFF  }
0x36: {  	[dreg:$0x0] =	wrdreg $0xFFFFFFFF;
	(pc) =	sbr.abs _section_cstart, $3  }
0x37: {  	[dreg:$0x1] =	wrdreg $0xFFFFFFFF  }
0x38: {  	_ =	task.clear_ibuf [dreg:s6], $0x2FFFF;
	_ =	strace $0x9FFFFFFF  }
0x39: {  	(tm) =	ssettm $0x7FFFFFFF  }
tec
execute0_lowered:
.L_overlay_start_1:
0x0: {  	(tag) =	ssettag $0x1  }
0x1: {  	s0 =	stileid.u32  }
0x2: {  	s1 =	srdreg.scid;
	s8 =	rddreg [dreg:$0x0];
	s9 =	simm.s32 $0x2  }
0x3: {  	s16 =	simm.s32 $0x0;
	s10 =	simm.s32 $0x1000;
	s15 =	simm.s32 $0x0  }
0x4: {  	s17 =	simm.s32 $0x0;
	s2 =	sshll.u32 s0, $0x6;
	s1 =	sshll.u32 s1, $0xA  }
0x5: {  	s11 =	simm.s32 $0x0;
	s3 =	sshll.u32 s0, $0x1;
	s2 =	sor.u32 s2, s1  }
0x6: {  	s14 =	simm.s32 $0x0;
	s1 =	sand.u32 $0x2, s3;
	s2 =	sand.u32 $0x780, s2  }
0x7: {  	s3 =	ssub.s32 $0x4, s1;
	s13 =	smov.u32 s1;
	s4 =	ssub.s32 $0x800, s2  }
0x8: {  	s5 =	sshrl.u32 s3, $0x2;
	s3 =	sshrl.u32 s3, $0x1;
	s6 =	sand.u32 $0x780, s4  }
0x9: {  	s12 =	smov.u32 s2;
	p0 =	sne.s32 s6, $0x0;
	s6 =	simm.s32 $0x1  }
0xa: {  	s7 =	sand.u32 $0x1, s3;
	s4 =	sshrl.u32 s4, $0xB;
	s6 =	simm.s32 @!p0 $0x0  }
.Ltmp0:
0xb: {  	s5 =	sadd.s32 s5, s7;
	s6 =	sadd.s32 s6, s4;
	(pc) =	sbr.rel .LBB1_1-.Ltmp0, $4  }
0xc: {  	s3 =	rddreg [dreg:$0x1];
	_ =	strace $0x80000047;
	s7 =	smul.u32 s6, s5  }
0xd: {  	p0 =	por $0x0, $0x0;
	s4 =	simm.s32 $0x1;
	s5 =	sadd.s32 $0x1600, s8  }
0xe: {  	[sflag:s4] =	ssyncpa.u1 $0x0;
	s6 =	sadd.s32 $0x101600, s8;
	s7 =	sshll.u32 s7, $0x4  }
0xf: {  	s8 =	sadd.s32 $0x41600, s8;
	[sflag:s9] =	ssyncpa.u1 $0x0;
	s9 =	sor.u32 $0x1, s7  }
.LBB1_4:
0x10: {  	[tilespmem:s18+$0x1830 ss:$0x81] =	vst.msk $0xffff, v13;
	v7 =	vpack.i.b32.b16 v9, v7  }
0x11: {  	v50 =	vpack.i.b32.b16 v12, v10;
	[tilespmem:s18+$0x1831 ss:$0x81] =	vst.msk $0xffff, v7  }
0x12: {  	v51 =	vunpack.i.l.s16.s32 v4;
	v52 =	vunpack.i.l.s16.s32 v6;
	v53 =	vpack.i.b32.b16 v11, v8;
	[tilespmem:s18+$0x2040 ss:$0x81] =	vst.msk $0xffff, v50  }
0x13: {  	s21 =	sshll.u32 s15, $0x2;
	v57 =	vunpack.i.l.s16.s32 v5;
	v56 =	vpack.i.b32.b16 v52, v51;
	[tilespmem:s18+$0x2041 ss:$0x81] =	vst.msk $0xffff, v53  }
0x14: {  	v54 =	vunpack.i.u.s16.s32 v4;
	v55 =	vunpack.i.u.s16.s32 v6;
	s17 =	sshll.u32 s17, $0x7;
	s22 =	sshll.u32 s15, $0x1;
	s16 =	sshll.u32 s16, $0x9;
	v1 =	vpack.i.b32.b16 v1, v57;
	[tilespmem:s18+$0x2850 ss:$0x81] =	vst.msk $0xffff, v56  }
0x15: {  	v58 =	vunpack.i.u.s16.s32 v5;
	s30 =	sshrl.u32 s15, $0x2;
	v4 =	vpack.i.b32.b16 v55, v54;
	s17 =	sand.u32 $0x100, s17;
	s21 =	sand.u32 $0x600, s21;
	[tilespmem:s18+$0x0 ss:$0x81] =	vst.msk $0xffff, v1  }
0x16: {  	v59 =	vunpack.i.l.s16.s32 v2;
	v60 =	vunpack.i.l.s16.s32 v3;
	s31 =	sand.u32 $0x7, s15;
	s29 =	sand.u32 $0xF0, s22;
	v0 =	vpack.i.b32.b16 v0, v58;
	s17 =	sor.u32 s17, s21;
	[tilespmem:s18+$0x2851 ss:$0x81] =	vst.msk $0xffff, v4  }
0x17: {  	v61 =	vunpack.i.u.s16.s32 v2;
	v62 =	vunpack.i.u.s16.s32 v3;
	s16 =	sadd.s32 s6, s16;
	v1 =	vpack.i.b32.b16 v60, v59;
	s17 =	sor.u32 s29, s17;
	[tilespmem:s20+$0x1 ss:$0x81] =	vst.msk $0xffff, v0;
	s18 =	sand.u32 $0x180, s30  }
0x18: {  	v63 =	vpack.i.b32.b16 v62, v61;
	s15 =	sshll.u32 s31, $0x12;
	[tilespmem:s20+$0x3060 ss:$0x81] =	vst.msk $0xffff, v1;
	s17 =	sshrl.u32 s17, $0x4;
	s16 =	sadd.s32 s18, s16  }
0x19: {  	s15 =	sor.u32 $0x80, s15;
	[tilespmem:s20+$0x3061 ss:$0x81] =	vst.msk $0xffff, v63;
	s16 =	sadd.s32 s17, s16  }
0x1a: {  	[hbm4b:s16+s15] =	stream.strided.scatter [tilespmem:s19], [sflag:$0x2], $0x4000, s10, s15, $0x20;
	[tilespmem:$0x10100] =	vst v63  }
.LBB1_5:
0x1b: {  	s18 =	sadd.s32 $0x80, s11  }
0x1c: {  	s15 =	sadd.s32 $0x800, s12;
	s19 =	smov.u32 s12;
	p2 =	sgt.s32 s18, $0x7FF  }
0x1d: {  	s19 =	smov.u32 @p2 s15  }
0x1e: {  	s21 =	smov.u32 s13;
	s15 =	sadd.s32 $0x4, s13;
	p3 =	sgt.s32 s19, $0x7FF  }
0x1f: {  	s21 =	smov.u32 @p3 s15  }
0x20: {  	s18 =	simm.s32 @p2 $0x0;
	p2 =	sgt.s32 s21, $0x3  }
0x21: {  	p1 =	slt.u32 s14, $0x2;
	s21 =	smov.u32 @p2 s1;
	p2 =	sne.s32 s14, s9  }
.Ltmp1:
0x22: {  	s20 =	simm.s32 @!p1 $0x2;
	(pc) =	sbr.rel @!p2 .LBB1_6-.Ltmp1, $4  }
0x23: {  	s16 =	smov.u32 s11;
	s17 =	smov.u32 s13;
	_ =	swait.ge @!p1 [sflag:s20], $0x4000  }
0x24: {  	p0 =	por !p0, !p0;
	[sflag:s20] =	ssyncset.done @!p1 $0x0;
	s11 =	smov.u32 s18  }
0x25: {  	s19 =	smov.u32 @p3 s2;
	s15 =	smov.u32 s12;
	[sflag:s20] =	ssyncadd.s32 @!p1 $0xFFFFC000  }
0x26: {  	s12 =	smov.u32 s19;
	s14 =	sadd.s32 $0x1, s14;
	s13 =	smov.u32 s21  }
.LBB1_1:
0x27: {  	p1 =	sge.u32 s14, s7  }
0x28: {  	s18 =	sshll.u32 @!p1 s12, $0xB;
	s19 =	sshll.u32 @!p1 s11, $0x3;
	s20 =	sshll.u32 @!p1 s12, $0x7  }
0x29: {  	s21 =	sshll.u32 @!p1 s11, $0x1;
	s24 =	sand.u32 @!p1 $0x7, s11;
	s18 =	sand.u32 @!p1 $0x3FC000, s18  }
0x2a: {  	s20 =	sand.u32 @!p1 $0x300, s20;
	s22 =	sand.u32 @!p1 $0x400, s19;
	s18 =	sadd.s32 @!p1 s18, s19  }
0x2b: {  	s19 =	sand.u32 @!p1 $0xF0, s21;
	s20 =	sor.u32 @!p1 s20, s22;
	s21 =	sxor.u32 @!p1 $0xFFFFFFFF, s14  }
0x2c: {  	s19 =	sor.u32 @!p1 s19, s20;
	s18 =	sshrl.u32 @!p1 s18, $0x4;
	s20 =	sshll.u32 @!p1 s13, $0x12  }
0x2d: {  	s21 =	sshll.u32 @!p1 s21, $0xE;
	s18 =	sand.u32 @!p1 $0x3FF80, s18;
	s19 =	sshrl.u32 @!p1 s19, $0x4  }
0x2e: {  	s21 =	sand.u32 @!p1 $0x4000, s21;
	s22 =	sor.u32 @!p1 s18, s20;
	s23 =	sadd.s32 @!p1 s5, s19  }
0x2f: {  	s20 =	sadd.s32 @!p1 s20, s8;
	s22 =	sadd.s32 @!p1 s22, s23;
	s23 =	sshll.u32 @!p1 s24, $0x12  }
0x30: {  	s24 =	simm.s32 @!p1 $0x2000;
	s18 =	sadd.s32 @!p1 s18, s20;
	s23 =	sor.u32 @!p1 $0x200, s23  }
0x31: {  	[tilespmem:s21], [sflag:$0x1] =	stream.strided.gather @!p1 [hbm4b:s22+s23], $0x2000, s24, s23, $0x38;
	[tilespmem:$0x10100] =	vst v63  }
0x32: {  	s31 =	sadd.s32 $0xFFFFFFFF, s14;
	s18 =	sadd.s32 @!p1 s19, s18;
	s19 =	sor.u32 @!p1 $0x2000, s21  }
0x33: {  	[tilespmem:s19], [sflag:$0x1] =	stream.strided.gather @!p1 [hbm4b:s18+s23], $0x2000, s24, s23, $0x38;
	[tilespmem:$0x10100] =	vst v63  }
0x34: {  	p1 =	sge.u32 s31, s7  }
.Ltmp2:
0x35: {  	_ = 	snop;
	(pc) =	sbr.rel @p1 .LBB1_5-.Ltmp2, $1  }
0x36: {  	_ =	sdelay $0x3  }
0x37: {  	s18 =	simm.s32 $0x1  }
0x38: {  	_ =	swait.ge [sflag:s4], $0x4000;
	s18 =	simm.s32 @!p0 $0x0  }
0x39: {  	[sflag:s4] =	ssyncset.done $0x0;
	s19 =	sshll.u32 s18, $0xE  }
0x3a: {  	[sflag:s4] =	ssyncadd.s32 $0xFFFFC000;
	s20 =	sor.u32 $0x2000, s19  }
0x3b: {  	v0 =	vld [tilespmem:s20+$0xFFFFE070]  }
0x3c: {  	v1 =	vld [tilespmem:s20+$0x70]  }
0x3d: {  	v2 =	vld [tilespmem:s20+$0x0]  }
0x3e: {  	v3 =	vld [tilespmem:s20+$0xFFFFE010]  }
0x3f: {  	v5 =	vld [tilespmem:s20+$0xFFFFE020]  }
0x40: {  	v4 =	vld [tilespmem:s20+$0x10]  }
0x41: {  	v6 =	vld [tilespmem:s20+$0x20]  }
0x42: {  	s18 =	smul.u32 $0x10200, s18;
	v9 =	vld [tilespmem:s20+$0xFFFFE030];
	v7 =	vunpack.i.l.s16.s32 v0;
	v8 =	vunpack.i.l.s16.s32 v1  }
0x43: {  	v10 =	vunpack.i.u.s16.s32 v0;
	v11 =	vunpack.i.u.s16.s32 v1;
	v0 =	vunpack.i.u.s16.s32 v2  }
0x44: {  	s18 =	sshrl.u32 s18, $0x2;
	v1 =	vunpack.i.l.s16.s32 v2;
	v2 =	vld [tilespmem:s20+$0x30];
	v13 =	vunpack.i.u.s16.s32 v5;
	v5 =	vunpack.i.l.s16.s32 v5  }
0x45: {  	v12 =	vld [tilespmem:s20+$0xFFFFE040];
	s18 =	sor.u32 $0x8000, s18;
	v7 =	vpack.i.b32.b16 v8, v7;
	v8 =	vpack.i.b32.b16 v11, v10;
	v10 =	vunpack.i.u.s16.s32 v3  }
0x46: {  	v14 =	vld [tilespmem:s20+$0x40];
	v3 =	vunpack.i.l.s16.s32 v3;
	v11 =	vunpack.i.u.s16.s32 v4;
	v4 =	vunpack.i.l.s16.s32 v4;
	[tilespmem:s18+$0x3870 ss:$0x81] =	vst.msk $0xffff, v7  }
0x47: {  	s31 =	sand.u32 $0x1, s14;
	v15 =	vunpack.i.l.s16.s32 v6;
	v3 =	vpack.i.b32.b16 v4, v3;
	v4 =	vld [tilespmem:s20+$0xFFFFE050];
	v7 =	vunpack.i.u.s16.s32 v9;
	[tilespmem:s18+$0x3871 ss:$0x81] =	vst.msk $0xffff, v8  }
0x48: {  	s19 =	smul.u32 $0x10200, s31;
	v8 =	vunpack.i.u.s16.s32 v6;
	[tilespmem:s18+$0x810 ss:$0x81] =	vst.msk $0xffff, v3;
	v3 =	vpack.i.b32.b16 v11, v10;
	v11 =	vunpack.i.l.s16.s32 v9;
	v6 =	vld [tilespmem:s20+$0x50]  }
0x49: {  	[tilespmem:s18+$0x811 ss:$0x81] =	vst.msk $0xffff, v3;
	v3 =	vpack.i.b32.b16 v15, v5;
	v9 =	vunpack.i.u.s16.s32 v2;
	v15 =	vunpack.i.l.s16.s32 v2;
	v2 =	vld [tilespmem:s20+$0xFFFFE060]  }
0x4a: {  	s21 =	simm.s32 $0x0;
	s19 =	sshrl.u32 s19, $0x2;
	v10 =	vunpack.i.l.s16.s32 v12;
	v13 =	vpack.i.b32.b16 v8, v13;
	v8 =	vunpack.i.u.s16.s32 v12;
	[tilespmem:s18+$0x1020 ss:$0x81] =	vst.msk $0xffff, v3;
	v3 =	vld [tilespmem:s20+$0x60]  }
0x4b: {  	s22 =	sadd.s32 $0x80, s20;
	s19 =	sor.u32 $0x8000, s19;
	v5 =	vld [tilespmem:s20+$0xFFFFE000];
	v12 =	vunpack.i.l.s16.s32 v14;
	s20 =	smov.u32 s18;
	[tilespmem:s18+$0x1021 ss:$0x81] =	vst.msk $0xffff, v13;
	v13 =	vpack.i.b32.b16 v15, v11;
	v11 =	vunpack.i.u.s16.s32 v14  }
.LBB1_3:
0x4c: {  	v14 =	vld [tilespmem:s22+$0xFFFFE070];
	[tilespmem:s18+$0x1830 ss:$0x81] =	vst.msk $0xffff, v13;
	v7 =	vpack.i.b32.b16 v9, v7;
	v9 =	vunpack.i.u.s16.s32 v4;
	v4 =	vunpack.i.l.s16.s32 v4  }
0x4d: {  	v13 =	vld [tilespmem:s22+$0x70];
	[tilespmem:s18+$0x1831 ss:$0x81] =	vst.msk $0xffff, v7;
	v7 =	vpack.i.b32.b16 v12, v10;
	v10 =	vunpack.i.u.s16.s32 v6;
	v6 =	vunpack.i.l.s16.s32 v6  }
0x4e: {  	s21 =	sadd.s32 $0x2, s21;
	v12 =	vld [tilespmem:s22+$0x0];
	[tilespmem:s18+$0x2040 ss:$0x81] =	vst.msk $0xffff, v7;
	v7 =	vpack.i.b32.b16 v11, v8;
	v8 =	vunpack.i.u.s16.s32 v2;
	v2 =	vunpack.i.l.s16.s32 v2  }
0x4f: {  	p1 =	slt.u32 s21, $0x7E;
	v4 =	vpack.i.b32.b16 v6, v4;
	v6 =	vunpack.i.u.s16.s32 v3;
	v3 =	vunpack.i.l.s16.s32 v3;
	v11 =	vld [tilespmem:s22+$0xFFFFE010];
	[tilespmem:s18+$0x2041 ss:$0x81] =	vst.msk $0xffff, v7  }
0x50: {  	v15 =	vunpack.i.u.s16.s32 v5;
	v5 =	vunpack.i.l.s16.s32 v5;
	v7 =	vld [tilespmem:s22+$0x10];
	[tilespmem:s18+$0x2850 ss:$0x81] =	vst.msk $0xffff, v4;
	v4 =	vpack.i.b32.b16 v10, v9  }
0x51: {  	v1 =	vpack.i.b32.b16 v1, v5;
	v0 =	vpack.i.b32.b16 v0, v15;
	v2 =	vpack.i.b32.b16 v3, v2;
	v9 =	vld [tilespmem:s22+$0xFFFFE020];
	[tilespmem:s18+$0x2851 ss:$0x81] =	vst.msk $0xffff, v4  }
0x52: {  	v6 =	vpack.i.b32.b16 v6, v8;
	v4 =	vunpack.i.l.s16.s32 v14;
	v3 =	vld [tilespmem:s22+$0x20];
	v5 =	vunpack.i.l.s16.s32 v13;
	[tilespmem:s18+$0x0 ss:$0x81] =	vst.msk $0xffff, v1  }
0x53: {  	v10 =	vunpack.i.u.s16.s32 v14;
	v13 =	vunpack.i.u.s16.s32 v13;
	s18 =	sadd.s32 $0x2, s18;
	v8 =	vld [tilespmem:s22+$0xFFFFE030];
	v4 =	vpack.i.b32.b16 v5, v4;
	[tilespmem:s20+$0x1 ss:$0x81] =	vst.msk $0xffff, v0  }
0x54: {  	v0 =	vunpack.i.u.s16.s32 v12;
	v1 =	vunpack.i.l.s16.s32 v12;
	v5 =	vld [tilespmem:s22+$0x30];
	[tilespmem:s18+$0x3870 ss:$0x81] =	vst.msk $0xffff, v4;
	v4 =	vpack.i.b32.b16 v13, v10  }
0x55: {  	v10 =	vunpack.i.u.s16.s32 v11;
	v11 =	vunpack.i.l.s16.s32 v11;
	v12 =	vunpack.i.u.s16.s32 v7;
	v13 =	vld [tilespmem:s22+$0xFFFFE040];
	[tilespmem:s18+$0x3871 ss:$0x81] =	vst.msk $0xffff, v4  }
0x56: {  	v4 =	vunpack.i.l.s16.s32 v7;
	v14 =	vunpack.i.u.s16.s32 v9;
	v9 =	vunpack.i.l.s16.s32 v9;
	v15 =	vld [tilespmem:s22+$0x40];
	[tilespmem:s20+$0x3060 ss:$0x81] =	vst.msk $0xffff, v2  }
.Ltmp3:
0x57: {  	v2 =	vpack.i.b32.b16 v4, v11;
	v11 =	vunpack.i.u.s16.s32 v3;
	v3 =	vunpack.i.l.s16.s32 v3;
	v4 =	vld [tilespmem:s22+$0xFFFFE050];
	[tilespmem:s20+$0x3061 ss:$0x81] =	vst.msk $0xffff, v6;
	s20 =	smov.u32 s18;
	(pc) =	sbr.rel @p1 .LBB1_3-.Ltmp3, $4  }
0x58: {  	[tilespmem:s18+$0x810 ss:$0x81] =	vst.msk $0xffff, v2;
	v2 =	vpack.i.b32.b16 v12, v10;
	v7 =	vunpack.i.u.s16.s32 v8;
	v12 =	vunpack.i.l.s16.s32 v8;
	v6 =	vld [tilespmem:s22+$0x50]  }
0x59: {  	v3 =	vpack.i.b32.b16 v3, v9;
	[tilespmem:s18+$0x811 ss:$0x81] =	vst.msk $0xffff, v2;
	v9 =	vunpack.i.u.s16.s32 v5;
	v16 =	vunpack.i.l.s16.s32 v5;
	v2 =	vld [tilespmem:s22+$0xFFFFE060]  }
0x5a: {  	v11 =	vpack.i.b32.b16 v11, v14;
	[tilespmem:s18+$0x1020 ss:$0x81] =	vst.msk $0xffff, v3;
	v8 =	vunpack.i.u.s16.s32 v13;
	v10 =	vunpack.i.l.s16.s32 v13;
	v3 =	vld [tilespmem:s22+$0x60]  }
0x5b: {  	v13 =	vpack.i.b32.b16 v16, v12;
	v5 =	vld [tilespmem:s22+$0xFFFFE000];
	[tilespmem:s18+$0x1021 ss:$0x81] =	vst.msk $0xffff, v11;
	v11 =	vunpack.i.u.s16.s32 v15;
	v12 =	vunpack.i.l.s16.s32 v15;
	s22 =	sadd.s32 $0x80, s22  }
.Ltmp4:
0x5c: {  	_ = 	snop;
	(pc) =	sbr.rel .LBB1_4-.Ltmp4, $1  }
0x5d: {  	_ =	sdelay $0x3  }
.LBB1_6:
0x5e: {  	_ =	sfence.sel $0x180000  }
0x5f: {  	s1 =	simm.s32 $0x1;
	[bflag:$0x0] =	sbarrier.arrive $0xFFFF  }
0x60: {  	s31 =	simm.s32 $0x2;
	[sflag:s1] =	ssyncpa.u1 $0x1  }
0x61: {  	[sflag:s31] =	ssyncpa.u1 $0x1  }
0x62: {  	p0 =	sne.s32 s0, $0x0;
	_ =	strace $0x90000047  }
0x63: {  	s0 =	sadd.s32 @!p0 $0x100000, s3;
	[bflag:$0x2] =	sbarrier.arrive $0xFFFF  }
0x64: {  	[sflag:s0] =	ssyncadd.tile.s32 @!p0 $0x1;
	_ =	shalt  }
.Lfunc_end1:
_tile_overlayer_lowered:
.L_overlay_start_2:
0x65: {  	(tag) =	ssettag $0x2  }
0x66: {  	s0 =	rddreg [dreg:$0x0];
	s2 =	stileid.u32  }
0x67: {  	s1 =	rddreg [dreg:$0x1];
	p0 =	sne.s32 s2, $0x0  }
0x68: {  	s3 =	rddreg [dreg:$0x2];
	[bflag:$0x3] =	sbarrier.arrive $0xFFFF;
	s2 =	simm.s32 @!p0 $0x1C01  }
0x69: {  	[timem:s3], [sflag:s2] =	dma.local @!p0 [hbm:s0], s1  }
0x6a: {  	s0 =	simm.s32 @!p0 $0x1  }
0x6b: {  	_ =	swait.ge @!p0 [sflag:s0], s1  }
0x6c: {  	s1 =	ssub.s32 @!p0 $0x0, s1;
	[sflag:s0] =	ssyncset.done @!p0 $0x0  }
0x6d: {  	[sflag:s0] =	ssyncadd.s32 @!p0 s1  }
0x6e: {  	[bflag:$0x3] =	sbarrier.arrive $0xFFFF  }
0x6f: {  	_ =	shalt  }

</sc_bundles>
